<compile_context>
chip_gen: v7x
topology: tpu7x:2x2x1
jax: 0.10.2.dev20260603
libtpu: 0.0.44.dev20260713+nightly
codegen_flags: <defaults>
</compile_context>

<pallas_src>
import functools

import jax
import jax.numpy as jnp
from jax import lax
from jax.experimental import pallas as pl
from jax.experimental.pallas import tpu as pltpu
from jax.experimental.pallas import tpu_sc as plsc

N = 4096
D = 64
KEEP = 21
BLOCK = 256
NUM_WORKERS = 32
ROWS_PER_W = N // NUM_WORKERS
LANES = 16


def _sim_kernel(x_ref, w0_ref, b0_ref, w1_ref, b1_ref, out_ref,
                h_ref, ht_ref):
    i = pl.program_id(0)

    @pl.when(i == 0)
    def _embed():
        x = x_ref[...]
        h = jnp.dot(x, w0_ref[...].T, preferred_element_type=jnp.float32)
        h = jnp.maximum(h + b0_ref[...], 0.0)
        h = jnp.dot(h, w1_ref[...].T, preferred_element_type=jnp.float32)
        h = h + b1_ref[...]
        nrm = jnp.sqrt(jnp.sum(h * h, axis=1, keepdims=True))
        h = h / jnp.maximum(nrm, 1e-12)
        h_ref[...] = h
        ht_ref[...] = h.T

    hb = h_ref[pl.ds(i * BLOCK, BLOCK), :]
    out_ref[...] = jnp.dot(hb, ht_ref[...], preferred_element_type=jnp.float32)


def _similarity(x, W0, b0, W1, b1):
    grid = (N // BLOCK,)
    return pl.pallas_call(
        _sim_kernel,
        grid=grid,
        in_specs=[
            pl.BlockSpec((N, D), lambda i: (0, 0)),
            pl.BlockSpec((D, D), lambda i: (0, 0)),
            pl.BlockSpec((1, D), lambda i: (0, 0)),
            pl.BlockSpec((D, D), lambda i: (0, 0)),
            pl.BlockSpec((1, D), lambda i: (0, 0)),
        ],
        out_specs=pl.BlockSpec((BLOCK, N), lambda i: (i, 0)),
        out_shape=jax.ShapeDtypeStruct((N, N), jnp.float32),
        scratch_shapes=[
            pltpu.VMEM((N, D), jnp.float32),
            pltpu.VMEM((D, N), jnp.float32),
        ],
        compiler_params=pltpu.CompilerParams(
            dimension_semantics=("arbitrary",),
        ),
    )(x, W0, b0, W1, b1)


def _sc_topk_body(sim_hbm, out_hbm, row_v, orow_v):
    c = lax.axis_index("c")
    s = lax.axis_index("s")
    wid = c * 16 + s
    lane = lax.iota(jnp.int32, LANES)

    def do_row(r, carry):
        row = wid * ROWS_PER_W + r
        pltpu.sync_copy(sim_hbm.at[row], row_v)

        def _sort16(v):
            _, sv = plsc.sort_key_val(v, v)
            return sv

        def chunk_step(j, bufs):
            b1, b2 = bufs
            off = pl.multiple_of(j * LANES, LANES)
            cvec = row_v[pl.ds(off, LANES)]
            cs = lax.rev(_sort16(cvec), (0,))
            h = jnp.maximum(b1, cs)
            l = jnp.minimum(b1, cs)
            b1 = _sort16(h)
            ls = lax.rev(_sort16(l), (0,))
            b2 = _sort16(jnp.maximum(b2, ls))
            return (b1, b2)

        neg = jnp.full((LANES,), -2.0, jnp.float32)
        _, b2 = lax.fori_loop(0, N // LANES, chunk_step, (neg, neg))
        t = jnp.max(jnp.where(lane == 11, b2, -2.0))
        t = jnp.maximum(t, 0.0)
        tb = jnp.full((LANES,), t)

        def wchunk(j, carry2):
            off = pl.multiple_of(j * LANES, LANES)
            cvec = row_v[pl.ds(off, LANES)]
            orow_v[pl.ds(off, LANES)] = jnp.where(cvec >= tb, cvec, 0.0)
            return carry2

        lax.fori_loop(0, N // LANES, wchunk, 0)
        pltpu.sync_copy(orow_v, out_hbm.at[row])
        return carry

    lax.fori_loop(0, ROWS_PER_W, do_row, 0)


def _sc_topk(sim):
    mesh = plsc.VectorSubcoreMesh(core_axis_name="c", subcore_axis_name="s")
    return pl.kernel(
        _sc_topk_body,
        out_type=jax.ShapeDtypeStruct((N, N), jnp.float32),
        mesh=mesh,
        scratch_types=[
            pltpu.VMEM((N,), jnp.float32),
            pltpu.VMEM((N,), jnp.float32),
        ],
        compiler_params=pltpu.CompilerParams(needs_layout_passes=False),
    )(sim)


def kernel(x, W0, b0, W1, b1):
    x = x.astype(jnp.float32)
    b0 = b0.reshape(1, D).astype(jnp.float32)
    b1 = b1.reshape(1, D).astype(jnp.float32)
    sim = _similarity(x, W0.astype(jnp.float32), b0,
                      W1.astype(jnp.float32), b1)
    return _sc_topk(sim)

# --- scband reference (transcript-rebuilt; emitter-appended) ---
"""Pipeline reference for scband-mlp-learner-68796786147776 (READ-ONLY COPY).

The authoritative reference and input builder live on the scoring server;
editing this copy changes nothing except your own understanding.
"""

import jax, jax.numpy as jnp
import numpy as np

N = 4096
D = 64
K = 20  # k_neighbours; module uses k_neighbours + 1


def setup_inputs(seed: int = 0) -> dict:
    key = jax.random.key(seed)
    kx, kb0, kb1 = jax.random.split(key, 3)
    x = jax.random.normal(kx, (N, D), dtype=jnp.float32)
    # init_parameters sets every Linear weight to identity; biases keep default init
    W0 = jnp.eye(D, dtype=jnp.float32)
    b0 = jax.random.uniform(kb0, (D,), dtype=jnp.float32, minval=-1.0, maxval=1.0) / jnp.sqrt(D)
    W1 = jnp.eye(D, dtype=jnp.float32)
    b1 = jax.random.uniform(kb1, (D,), dtype=jnp.float32, minval=-1.0, maxval=1.0) / jnp.sqrt(D)
    return {"x": x, "W0": W0, "b0": b0, "W1": W1, "b1": b1}


def reference(x, W0, b0, W1, b1):
    # interval_forward: n_layers=2 -> relu(linear0(x)) then linear1
    h = jax.nn.relu(x @ W0.T + b0)
    h = h @ W1.T + b1
    # F.normalize(dim=-1, p=2)
    nrm = jnp.linalg.norm(h, axis=-1, keepdims=True)
    h = h / jnp.maximum(nrm, 1e-12)
    # cal_similarity_graph: dense cosine similarity N x N
    sim = h @ h.T
    # graph_top_K(sim, k_neighbours + 1): keep top-(K+1) per row, zero the rest
    vals, idx = jax.lax.top_k(sim, K + 1)
    rows = jnp.arange(sim.shape[0])[:, None]
    mask = jnp.zeros_like(sim).at[rows, idx].set(1.0)
    sparse_graph = sim * mask
    # apply_non_linearity(x, 'relu', slope, alpha) -> relu
    out = jax.nn.relu(sparse_graph)
    return out

if __name__ == "__main__":
    import jax
    _d = setup_inputs()
    print(jax.jit(kernel)(*tuple(_d.values())))

</pallas_src>

<mosaic_0001>
#map = affine_map<(d0, d1) -> (0, 0)>
module attributes {stable_mosaic.version = 14 : i64} {
  func.func @_sc_topk_body(%arg0: i32, %arg1: i32, %arg2: memref<4096x4096xf32, #tpu.memory_space<hbm>>, %arg3: memref<4096x4096xf32, #tpu.memory_space<hbm>>, %arg4: memref<4096xf32, #tpu.memory_space<vmem>>, %arg5: memref<4096xf32, #tpu.memory_space<vmem>>) attributes {dimension_semantics = [#tpu.dimension_semantics<core_parallel>, #tpu.dimension_semantics<subcore_parallel>], iteration_bounds = array<i64: 2, 16>, scalar_prefetch = 0 : i64, scratch_operands = 2 : i64, tpu.core_type = #tpu.core_type<sc_vector_subcore>, window_params = [{transform_indices = #map}, {transform_indices = #map}]} {
    %mul3A = arith.constant 16 : i32
    %mul3A_0 = arith.muli %arg0, %mul3A : i32
    %add3A = arith.addi %mul3A_0, %arg1 : i32
    %iota3A = tpu.iota {dimensions = array<i32: 0>} : vector<16xi32>
    %scan3A = arith.constant 0 : i32
    %scan3A_1 = arith.constant 0 : i32
    %scan3A_2 = arith.constant 128 : i32
    %scan3A_3 = arith.addi %scan3A_1, %scan3A_2 : i32
    %scan3A_4 = arith.constant 1 : i32
    scf.for %scan3A_6 = %scan3A_1 to %scan3A_3 step %scan3A_4  : i32 {
      %mul3A_7 = arith.constant 128 : i32
      %mul3A_8 = arith.muli %add3A, %mul3A_7 : i32
      %add3A_9 = arith.addi %mul3A_8, %scan3A_6 : i32
      "tpu.region"() ({
        %run_scoped3A = tpu.sem_alloc : memref<!tpu.dma_semaphore, #tpu.memory_space<semaphore_mem>>
        %dma_start3A = arith.constant 0 : i32
        %dma_start3A_31 = tpu.memref_slice %arg2[%add3A_9, %dma_start3A] : memref<4096x4096xf32, #tpu.memory_space<hbm>> -> memref<1x4096xf32, #tpu.memory_space<hbm>>
        %dma_start3A_32 = tpu.memref_squeeze %dma_start3A_31 : memref<1x4096xf32, #tpu.memory_space<hbm>> -> memref<4096xf32, #tpu.memory_space<hbm>>
        %dma_start3A_33 = arith.constant 0 : i32
        %dma_start3A_34 = tpu.memref_slice %arg2[%add3A_9, %dma_start3A_33] : memref<4096x4096xf32, #tpu.memory_space<hbm>> -> memref<1x4096xf32, #tpu.memory_space<hbm>>
        %dma_start3A_35 = tpu.memref_squeeze %dma_start3A_34 : memref<1x4096xf32, #tpu.memory_space<hbm>> -> memref<4096xf32, #tpu.memory_space<hbm>>
        tpu.enqueue_dma source(%dma_start3A_35 : memref<4096xf32, #tpu.memory_space<hbm>>) target(%arg4 : memref<4096xf32, #tpu.memory_space<vmem>>) target_semaphore(%run_scoped3A : memref<!tpu.dma_semaphore, #tpu.memory_space<semaphore_mem>>)
        %dma_wait3A = arith.constant 0 : i32
        %dma_wait3A_36 = tpu.memref_slice %arg2[%add3A_9, %dma_wait3A] : memref<4096x4096xf32, #tpu.memory_space<hbm>> -> memref<1x4096xf32, #tpu.memory_space<hbm>>
        %dma_wait3A_37 = tpu.memref_squeeze %dma_wait3A_36 : memref<1x4096xf32, #tpu.memory_space<hbm>> -> memref<4096xf32, #tpu.memory_space<hbm>>
        %dma_wait3A_38 = arith.constant 0 : i32
        %dma_wait3A_39 = tpu.memref_slice %arg2[%add3A_9, %dma_wait3A_38] : memref<4096x4096xf32, #tpu.memory_space<hbm>> -> memref<1x4096xf32, #tpu.memory_space<hbm>>
        %dma_wait3A_40 = tpu.memref_squeeze %dma_wait3A_39 : memref<1x4096xf32, #tpu.memory_space<hbm>> -> memref<4096xf32, #tpu.memory_space<hbm>>
        tpu.wait_dma2 semaphore(%run_scoped3A : memref<!tpu.dma_semaphore, #tpu.memory_space<semaphore_mem>>) src(%dma_wait3A_40 : memref<4096xf32, #tpu.memory_space<hbm>>) dst(%arg4 : memref<4096xf32, #tpu.memory_space<vmem>>)
        tpu.yield
      }) : () -> ()
      %broadcast_in_dim3A = arith.constant -2.000000e+00 : f32
      %broadcast_in_dim3A_10 = vector.broadcast %broadcast_in_dim3A : f32 to vector<16xf32>
      %scan3A_11 = arith.constant 0 : i32
      %scan3A_12 = arith.constant 256 : i32
      %scan3A_13 = arith.addi %scan3A_11, %scan3A_12 : i32
      %scan3A_14 = arith.constant 1 : i32
      %scan3A_15:2 = scf.for %scan3A_31 = %scan3A_11 to %scan3A_13 step %scan3A_14 iter_args(%scan3A_32 = %broadcast_in_dim3A_10, %scan3A_33 = %broadcast_in_dim3A_10) -> (vector<16xf32>, vector<16xf32>)  : i32 {
        %mul3A_34 = arith.constant 16 : i32
        %mul3A_35 = arith.muli %scan3A_31, %mul3A_34 : i32
        %multiple_of3A = tpu.assume_multiple %mul3A_35, 16 : i32
        %get3A = arith.index_cast %multiple_of3A : i32 to index
        %get3A_36 = tpu.vector_load %arg4[%get3A] {strides = array<i32>} : memref<4096xf32, #tpu.memory_space<vmem>>, vector<16xf32>,
        %masked_sort3A = arith.constant dense<true> : vector<16xi1>
        %masked_sort3A_37, %masked_sort3A_38, %masked_sort3A_39 = tpu.sort %get3A_36, %get3A_36 masked %masked_sort3A : (vector<16xf32>, vector<16xf32>, vector<16xi1>) -> (vector<16xi1>, vector<16xf32>, vector<16xf32>)
        %rev3A = arith.constant 15 : i32
        %rev3A_40 = vector.broadcast %rev3A : i32 to vector<16xi32>
        %rev3A_41 = tpu.iota {dimensions = array<i32: 0>} : vector<16xi32>
        %rev3A_42 = arith.subi %rev3A_40, %rev3A_41 : vector<16xi32>
        %rev3A_43 = tpu.dynamic_gather %masked_sort3A_39[%rev3A_42] in [0] : vector<16xf32>, vector<16xi32> -> vector<16xf32>
        %max3A_44 = arith.maximumf %scan3A_32, %rev3A_43 : vector<16xf32>
        %min3A = arith.minimumf %scan3A_32, %rev3A_43 : vector<16xf32>
        %masked_sort3A_45 = arith.constant dense<true> : vector<16xi1>
        %masked_sort3A_46, %masked_sort3A_47, %masked_sort3A_48 = tpu.sort %max3A_44, %max3A_44 masked %masked_sort3A_45 : (vector<16xf32>, vector<16xf32>, vector<16xi1>) -> (vector<16xi1>, vector<16xf32>, vector<16xf32>)
        %masked_sort3A_49 = arith.constant dense<true> : vector<16xi1>
        %masked_sort3A_50, %masked_sort3A_51, %masked_sort3A_52 = tpu.sort %min3A, %min3A masked %masked_sort3A_49 : (vector<16xf32>, vector<16xf32>, vector<16xi1>) -> (vector<16xi1>, vector<16xf32>, vector<16xf32>)
        %rev3A_53 = arith.constant 15 : i32
        %rev3A_54 = vector.broadcast %rev3A_53 : i32 to vector<16xi32>
        %rev3A_55 = tpu.iota {dimensions = array<i32: 0>} : vector<16xi32>
        %rev3A_56 = arith.subi %rev3A_54, %rev3A_55 : vector<16xi32>
        %rev3A_57 = tpu.dynamic_gather %masked_sort3A_52[%rev3A_56] in [0] : vector<16xf32>, vector<16xi32> -> vector<16xf32>
        %max3A_58 = arith.maximumf %scan3A_33, %rev3A_57 : vector<16xf32>
        %masked_sort3A_59 = arith.constant dense<true> : vector<16xi1>
        %masked_sort3A_60, %masked_sort3A_61, %masked_sort3A_62 = tpu.sort %max3A_58, %max3A_58 masked %masked_sort3A_59 : (vector<16xf32>, vector<16xf32>, vector<16xi1>) -> (vector<16xi1>, vector<16xf32>, vector<16xf32>)
        scf.yield %masked_sort3A_48, %masked_sort3A_62 : vector<16xf32>, vector<16xf32>
      }
      %scan3A_16 = arith.constant 256 : i32
      %eq3A = arith.constant 11 : i32
      %eq3A_17 = vector.broadcast %eq3A : i32 to vector<16xi32>
      %eq3A_18 = arith.cmpi eq, %iota3A, %eq3A_17 : vector<16xi32>
      %jit3A = arith.constant -2.000000e+00 : f32
      %broadcast_in_dim3A_19 = vector.broadcast %jit3A : f32 to vector<16xf32>
      %select_n3A = arith.select %eq3A_18, %scan3A_15#1, %broadcast_in_dim3A_19 : vector<16xi1>, vector<16xf32>
      %reduce_max3A = arith.constant true
      %reduce_max3A_20 = vector.broadcast %reduce_max3A : i1 to vector<16xi1>
      %reduce_max3A_21 = tpu.scan <max>, %select_n3A masked %reduce_max3A_20 : vector<16xf32>, vector<16xi1> -> vector<16xf32>
      %reduce_max3A_22 = vector.extract %reduce_max3A_21[15] : f32 from vector<16xf32>
      %max3A = arith.constant 0.000000e+00 : f32
      %max3A_23 = arith.maximumf %reduce_max3A_22, %max3A : f32
      %broadcast_in_dim3A_24 = vector.broadcast %max3A_23 : f32 to vector<16xf32>
      %scan3A_25 = arith.constant 0 : i32
      %scan3A_26 = arith.constant 0 : i32
      %scan3A_27 = arith.constant 256 : i32
      %scan3A_28 = arith.addi %scan3A_26, %scan3A_27 : i32
      %scan3A_29 = arith.constant 1 : i32
      scf.for %scan3A_31 = %scan3A_26 to %scan3A_28 step %scan3A_29  : i32 {
        %mul3A_32 = arith.constant 16 : i32
        %mul3A_33 = arith.muli %scan3A_31, %mul3A_32 : i32
        %multiple_of3A = tpu.assume_multiple %mul3A_33, 16 : i32
        %get3A = arith.index_cast %multiple_of3A : i32 to index
        %get3A_34 = tpu.vector_load %arg4[%get3A] {strides = array<i32>} : memref<4096xf32, #tpu.memory_space<vmem>>, vector<16xf32>,
        %ge3A = arith.cmpf oge, %get3A_34, %broadcast_in_dim3A_24 : vector<16xf32>
        %jit3A_35 = arith.constant 0.000000e+00 : f32
        %broadcast_in_dim3A_36 = vector.broadcast %jit3A_35 : f32 to vector<16xf32>
        %select_n3A_37 = arith.select %ge3A, %get3A_34, %broadcast_in_dim3A_36 : vector<16xi1>, vector<16xf32>
        %swap3A = arith.index_cast %multiple_of3A : i32 to index
        %swap3A_38 = tpu.vector_load %arg5[%swap3A] {strides = array<i32>} : memref<4096xf32, #tpu.memory_space<vmem>>, vector<16xf32>,
        tpu.vector_store %arg5[%swap3A], %select_n3A_37 {strides = array<i32>} : memref<4096xf32, #tpu.memory_space<vmem>>, vector<16xf32>,
      }
      %scan3A_30 = arith.constant 256 : i32
      "tpu.region"() ({
        %run_scoped3A = tpu.sem_alloc : memref<!tpu.dma_semaphore, #tpu.memory_space<semaphore_mem>>
        %dma_start3A = arith.constant 0 : i32
        %dma_start3A_31 = tpu.memref_slice %arg3[%add3A_9, %dma_start3A] : memref<4096x4096xf32, #tpu.memory_space<hbm>> -> memref<1x4096xf32, #tpu.memory_space<hbm>>
        %dma_start3A_32 = tpu.memref_squeeze %dma_start3A_31 : memref<1x4096xf32, #tpu.memory_space<hbm>> -> memref<4096xf32, #tpu.memory_space<hbm>>
        %dma_start3A_33 = arith.constant 0 : i32
        %dma_start3A_34 = tpu.memref_slice %arg3[%add3A_9, %dma_start3A_33] : memref<4096x4096xf32, #tpu.memory_space<hbm>> -> memref<1x4096xf32, #tpu.memory_space<hbm>>
        %dma_start3A_35 = tpu.memref_squeeze %dma_start3A_34 : memref<1x4096xf32, #tpu.memory_space<hbm>> -> memref<4096xf32, #tpu.memory_space<hbm>>
        tpu.enqueue_dma source(%arg5 : memref<4096xf32, #tpu.memory_space<vmem>>) target(%dma_start3A_35 : memref<4096xf32, #tpu.memory_space<hbm>>) target_semaphore(%run_scoped3A : memref<!tpu.dma_semaphore, #tpu.memory_space<semaphore_mem>>)
        %dma_wait3A = arith.constant 0 : i32
        %dma_wait3A_36 = tpu.memref_slice %arg3[%add3A_9, %dma_wait3A] : memref<4096x4096xf32, #tpu.memory_space<hbm>> -> memref<1x4096xf32, #tpu.memory_space<hbm>>
        %dma_wait3A_37 = tpu.memref_squeeze %dma_wait3A_36 : memref<1x4096xf32, #tpu.memory_space<hbm>> -> memref<4096xf32, #tpu.memory_space<hbm>>
        %dma_wait3A_38 = arith.constant 0 : i32
        %dma_wait3A_39 = tpu.memref_slice %arg3[%add3A_9, %dma_wait3A_38] : memref<4096x4096xf32, #tpu.memory_space<hbm>> -> memref<1x4096xf32, #tpu.memory_space<hbm>>
        %dma_wait3A_40 = tpu.memref_squeeze %dma_wait3A_39 : memref<1x4096xf32, #tpu.memory_space<hbm>> -> memref<4096xf32, #tpu.memory_space<hbm>>
        tpu.wait_dma2 semaphore(%run_scoped3A : memref<!tpu.dma_semaphore, #tpu.memory_space<semaphore_mem>>) src(%arg5 : memref<4096xf32, #tpu.memory_space<vmem>>) dst(%dma_wait3A_40 : memref<4096xf32, #tpu.memory_space<hbm>>)
        tpu.yield
      }) : () -> ()
    }
    %scan3A_5 = arith.constant 128 : i32
    return
  }
}

module attributes {stable_mosaic.version = 14 : i64} {
  func.func @_sim_kernel(%arg0: i32, %arg1: memref<4096x64xf32, #tpu.memory_space<vmem>>, %arg2: memref<64x64xf32, #tpu.memory_space<vmem>>, %arg3: memref<1x64xf32, #tpu.memory_space<vmem>>, %arg4: memref<64x64xf32, #tpu.memory_space<vmem>>, %arg5: memref<1x64xf32, #tpu.memory_space<vmem>>, %arg6: memref<256x4096xf32, #tpu.memory_space<vmem>>, %arg7: memref<4096x64xf32, #tpu.memory_space<vmem>>, %arg8: memref<64x4096xf32, #tpu.memory_space<vmem>>) attributes {dimension_semantics = [#tpu.dimension_semantics<arbitrary>], iteration_bounds = array<i64: 16>, scalar_prefetch = 0 : i64, scratch_operands = 2 : i64, tpu.core_type = #tpu.core_type<tc>, window_params = [{pipeline_mode = #tpu.pipeline_mode<synchronous>, transform_indices = @transform_0, window_bounds = array<i64: 4096, 64>}, {pipeline_mode = #tpu.pipeline_mode<synchronous>, transform_indices = @transform_1, window_bounds = array<i64: 64, 64>}, {pipeline_mode = #tpu.pipeline_mode<synchronous>, transform_indices = @transform_2, window_bounds = array<i64: 1, 64>}, {pipeline_mode = #tpu.pipeline_mode<synchronous>, transform_indices = @transform_3, window_bounds = array<i64: 64, 64>}, {pipeline_mode = #tpu.pipeline_mode<synchronous>, transform_indices = @transform_4, window_bounds = array<i64: 1, 64>}, {transform_indices = @transform_5, window_bounds = array<i64: 256, 4096>}]} {
    %eq3A = arith.constant 0 : i32
    %eq3A_0 = arith.cmpi eq, %arg0, %eq3A : i32
    %convert_element_type3A = arith.extui %eq3A_0 : i1 to i32
    %cond3A = arith.constant 0 : i32
    %cond3A_1 = arith.cmpi ne, %convert_element_type3A, %cond3A : i32
    scf.if %cond3A_1 {
      %get3A_11 = arith.constant 0 : index
      %get3A_12 = arith.constant 0 : index
      %get3A_13 = vector.load %arg1[%get3A_11, %get3A_12] : memref<4096x64xf32, #tpu.memory_space<vmem>>, vector<4096x64xf32>
      %get3A_14 = arith.constant 0 : index
      %get3A_15 = arith.constant 0 : index
      %get3A_16 = vector.load %arg2[%get3A_14, %get3A_15] : memref<64x64xf32, #tpu.memory_space<vmem>>, vector<64x64xf32>
      %transpose3A = tpu.transpose %get3A_16, [1, 0] : vector<64x64xf32> -> vector<64x64xf32>
      %dot_general3A_17 = arith.constant dense<0.000000e+00> : vector<4096x64xf32>
      %dot_general3A_18 = tpu.matmul %get3A_13, %transpose3A, %dot_general3A_17 {dimension_numbers = #tpu.dot_dimension_numbers<[1], [0], [0], [1], [0, 0, 1, 1], [], []>, transpose_lhs_hint = false} : vector<4096x64xf32>, vector<64x64xf32>, vector<4096x64xf32> -> vector<4096x64xf32>
      %get3A_19 = arith.constant 0 : index
      %get3A_20 = arith.constant 0 : index
      %get3A_21 = vector.load %arg3[%get3A_19, %get3A_20] : memref<1x64xf32, #tpu.memory_space<vmem>>, vector<1x64xf32>
      %add3A = vector.broadcast %get3A_21 : vector<1x64xf32> to vector<4096x64xf32>
      %add3A_22 = arith.addf %dot_general3A_18, %add3A : vector<4096x64xf32>
      %max3A = arith.constant 0.000000e+00 : f32
      %max3A_23 = vector.broadcast %max3A : f32 to vector<4096x64xf32>
      %max3A_24 = arith.maximumf %add3A_22, %max3A_23 : vector<4096x64xf32>
      %get3A_25 = arith.constant 0 : index
      %get3A_26 = arith.constant 0 : index
      %get3A_27 = vector.load %arg4[%get3A_25, %get3A_26] : memref<64x64xf32, #tpu.memory_space<vmem>>, vector<64x64xf32>
      %transpose3A_28 = tpu.transpose %get3A_27, [1, 0] : vector<64x64xf32> -> vector<64x64xf32>
      %dot_general3A_29 = arith.constant dense<0.000000e+00> : vector<4096x64xf32>
      %dot_general3A_30 = tpu.matmul %max3A_24, %transpose3A_28, %dot_general3A_29 {dimension_numbers = #tpu.dot_dimension_numbers<[1], [0], [0], [1], [0, 0, 1, 1], [], []>, transpose_lhs_hint = false} : vector<4096x64xf32>, vector<64x64xf32>, vector<4096x64xf32> -> vector<4096x64xf32>
      %get3A_31 = arith.constant 0 : index
      %get3A_32 = arith.constant 0 : index
      %get3A_33 = vector.load %arg5[%get3A_31, %get3A_32] : memref<1x64xf32, #tpu.memory_space<vmem>>, vector<1x64xf32>
      %add3A_34 = vector.broadcast %get3A_33 : vector<1x64xf32> to vector<4096x64xf32>
      %add3A_35 = arith.addf %dot_general3A_30, %add3A_34 : vector<4096x64xf32>
      %mul3A_36 = arith.mulf %add3A_35, %add3A_35 : vector<4096x64xf32>
      %reduce_sum3A = arith.constant dense<0.000000e+00> : vector<4096xf32>
      %reduce_sum3A_37 = vector.multi_reduction <add>, %mul3A_36, %reduce_sum3A [1] : vector<4096x64xf32> to vector<4096xf32>
      %broadcast_in_dim3A = vector.shape_cast %reduce_sum3A_37 : vector<4096xf32> to vector<4096x1xf32>
      %sqrt3A = math.sqrt %broadcast_in_dim3A : vector<4096x1xf32>
      %max3A_38 = arith.constant 9.99999996E-13 : f32
      %max3A_39 = vector.broadcast %max3A_38 : f32 to vector<4096x1xf32>
      %max3A_40 = arith.maximumf %sqrt3A, %max3A_39 : vector<4096x1xf32>
      %div3A = vector.broadcast %max3A_40 : vector<4096x1xf32> to vector<4096x64xf32>
      %div3A_41 = arith.divf %add3A_35, %div3A : vector<4096x64xf32>
      %swap3A_42 = arith.constant 0 : index
      %swap3A_43 = arith.constant 0 : index
      %swap3A_44 = vector.load %arg7[%swap3A_42, %swap3A_43] : memref<4096x64xf32, #tpu.memory_space<vmem>>, vector<4096x64xf32>
      tpu.vector_store %arg7[%swap3A_42, %swap3A_43], %div3A_41 {strides = array<i32>} : memref<4096x64xf32, #tpu.memory_space<vmem>>, vector<4096x64xf32>,
      %transpose3A_45 = tpu.transpose %div3A_41, [1, 0] : vector<4096x64xf32> -> vector<64x4096xf32>
      %swap3A_46 = arith.constant 0 : index
      %swap3A_47 = arith.constant 0 : index
      %swap3A_48 = vector.load %arg8[%swap3A_46, %swap3A_47] : memref<64x4096xf32, #tpu.memory_space<vmem>>, vector<64x4096xf32>
      tpu.vector_store %arg8[%swap3A_46, %swap3A_47], %transpose3A_45 {strides = array<i32>} : memref<64x4096xf32, #tpu.memory_space<vmem>>, vector<64x4096xf32>,
    } else {
    }
    %mul3A = arith.constant 256 : i32
    %mul3A_2 = arith.muli %arg0, %mul3A : i32
    %get3A = arith.index_cast %mul3A_2 : i32 to index
    %get3A_3 = arith.constant 0 : index
    %get3A_4 = vector.load %arg7[%get3A, %get3A_3] : memref<4096x64xf32, #tpu.memory_space<vmem>>, vector<256x64xf32>
    %get3A_5 = arith.constant 0 : index
    %get3A_6 = arith.constant 0 : index
    %get3A_7 = vector.load %arg8[%get3A_5, %get3A_6] : memref<64x4096xf32, #tpu.memory_space<vmem>>, vector<64x4096xf32>
    %dot_general3A = arith.constant dense<0.000000e+00> : vector<256x4096xf32>
    %dot_general3A_8 = tpu.matmul %get3A_4, %get3A_7, %dot_general3A {dimension_numbers = #tpu.dot_dimension_numbers<[1], [0], [0], [1], [0, 0, 1, 1], [], []>, transpose_lhs_hint = false} : vector<256x64xf32>, vector<64x4096xf32>, vector<256x4096xf32> -> vector<256x4096xf32>
    %swap3A = arith.constant 0 : index
    %swap3A_9 = arith.constant 0 : index
    %swap3A_10 = vector.load %arg6[%swap3A, %swap3A_9] : memref<256x4096xf32, #tpu.memory_space<vmem>>, vector<256x4096xf32>
    tpu.vector_store %arg6[%swap3A, %swap3A_9], %dot_general3A_8 {strides = array<i32>} : memref<256x4096xf32, #tpu.memory_space<vmem>>, vector<256x4096xf32>,
    return
  }
  func.func @transform_0(%arg0: i32) -> (i32, i32) {
    %c0_i32 = arith.constant 0 : i32
    %c0_i32_0 = arith.constant 0 : i32
    %c0_i32_1 = arith.constant 0 : i32
    return %c0_i32, %c0_i32_0 : i32, i32
  }
  func.func @transform_1(%arg0: i32) -> (i32, i32) {
    %c0_i32 = arith.constant 0 : i32
    %c0_i32_0 = arith.constant 0 : i32
    %c0_i32_1 = arith.constant 0 : i32
    return %c0_i32, %c0_i32_0 : i32, i32
  }
  func.func @transform_2(%arg0: i32) -> (i32, i32) {
    %c0_i32 = arith.constant 0 : i32
    %c0_i32_0 = arith.constant 0 : i32
    %c0_i32_1 = arith.constant 0 : i32
    return %c0_i32, %c0_i32_0 : i32, i32
  }
  func.func @transform_3(%arg0: i32) -> (i32, i32) {
    %c0_i32 = arith.constant 0 : i32
    %c0_i32_0 = arith.constant 0 : i32
    %c0_i32_1 = arith.constant 0 : i32
    return %c0_i32, %c0_i32_0 : i32, i32
  }
  func.func @transform_4(%arg0: i32) -> (i32, i32) {
    %c0_i32 = arith.constant 0 : i32
    %c0_i32_0 = arith.constant 0 : i32
    %c0_i32_1 = arith.constant 0 : i32
    return %c0_i32, %c0_i32_0 : i32, i32
  }
  func.func @transform_5(%arg0: i32) -> (i32, i32) {
    %c0_i32 = arith.constant 0 : i32
    %c0_i32_0 = arith.constant 0 : i32
    return %arg0, %c0_i32 : i32, i32
  }
}

</mosaic_0001>

<sc_bundles>
// kernel: kernel.4.cloned.1.call-start
scs
__scs_entry_jumppad:
0x0: {  	(pc) =	sbr.rel $0x88, $3  }
0x1: {  	(tag) =	ssettag $0x0;
	lr =	simm.s32 $0x1  }
0x2: {  	[smem:$0x3F9C] =	sst lr;
	_ =	strace $0xD0000000  }
0x3: {  	_ = 	snop  }
0x4: {  	_ = 	snop  }
0x5: {  	_ = 	snop  }
0x6: {  	_ = 	snop  }
0x7: {  	_ = 	snop  }
__scs_overlays_trampoline_lowered:
0x8: {  	[smem:$0x3FAB] =	sst s0  }
0x9: {  	[smem:$0x3FAC] =	sst s1  }
0xa: {  	[smem:$0x3FAD] =	sst s2  }
0xb: {  	[smem:$0x3FAE] =	sst s3  }
0xc: {  	[smem:$0x3FAF] =	sst s4  }
0xd: {  	[smem:$0x3FB0] =	sst s5  }
0xe: {  	[smem:$0x3FB1] =	sst s6  }
0xf: {  	[smem:$0x3FB2] =	sst s7  }
0x10: {  	[smem:$0x3FB3] =	sst s8  }
0x11: {  	[smem:$0x3FB4] =	sst s9;
	s0 =	simm.s32 @!p0 $0x0  }
0x12: {  	s1 =	sld [smem:$0x3F9A];
	s0 =	simm.s32 @p0 $0x1  }
0x13: {  	[smem:$0x3FB5] =	sst s0;
	s0 =	simm.s32 @!p1 $0x0  }
0x14: {  	s2 =	sld [smem:$0x3F99];
	s0 =	simm.s32 @p1 $0x1  }
0x15: {  	[smem:$0x3FB6] =	sst s0;
	s0 =	simm.s32 @!p2 $0x0  }
0x16: {  	s3 =	sld [smem:$0x3FDB];
	s0 =	simm.s32 @p2 $0x1  }
0x17: {  	s4 =	simm.s32 $0x1BF5;
	[smem:$0x3FB8] =	sst s0  }
0x18: {  	s0 =	sld [smem:$0x3F9B];
	_ =	swait.ge [sflag:s4], $0x0  }
0x19: {  	s7 =	sld [smem:$0x3F9C]  }
0x1a: {  	s8 =	sadd.s32 $0xFFFFE003, lr  }
0x1b: {  	s9 =	sadd.s32 $0xFFFFFEF7, lr;
	s5 =	simm.s32 $0xFFFFFFFF;
	p2 =	slt.u32 s8, $0xFFFFF086  }
0x1c: {  	p1 =	slt.u32 s9, $0xF7A;
	s5 =	simm.s32 @!p2 $0x0  }
0x1d: {  	s5 =	simm.s32 @p1 $0x1;
	p0 =	seq.s32 s7, s2  }
0x1e: {  	s7 =	smul.u32 @!p0 $0xF7A, s2;
	p2 =	seq.s32 @!p0 s5, $0x0  }
0x1f: {  	s9 =	smul.u32 $0xF7A, s1;
	s8 =	simm.s32 @!p0 $0x1BF5;
	p2 =	por !p2, p0  }
0x20: {  	[sflag:s8] =	ssyncset.s32 @!p0 $0xFFFFF086;
	s6 =	sadd.s32 @!p0 s3, s7;
	s7 =	simm.s32 @!p0 $0x108  }
0x21: {  	s3 =	sadd.s32 s3, s9;
	s6 =	sadd.s32 @!p0 $0x88, s6;
	s7 =	simm.s32 @p2 $0x1082  }
0x22: {  	[simem:s7], [sflag:s8] =	dma.local @!p0 [hbm:s6], $0xF7A  }
0x23: {  	s9 =	sor.u32 $0xD0000000, s2;
	s6 =	simm.s32 $0x108;
	_ =	swait.ge @!p0 [sflag:s8], $0x0  }
0x24: {  	s3 =	sadd.s32 $0x88, s3;
	s6 =	simm.s32 @!p1 $0x1082;
	[sflag:s4] =	ssyncset.s32 $0xFFFFF086  }
0x25: {  	[simem:s6], [sflag:s4] =	dma.local [hbm:s3], $0xF7A  }
0x26: {  	[smem:$0x3F9C] =	sst s1;
	(tag) =	ssettag s2;
	_ =	strace s9  }
0x27: {  	s1 =	sld [smem:$0x3FAC]  }
0x28: {  	s2 =	sld [smem:$0x3FAD]  }
0x29: {  	s4 =	sld [smem:$0x3FAF]  }
0x2a: {  	p0 =	seq.s32 s5, $0x0;
	s5 =	sld [smem:$0x3FB0]  }
0x2b: {  	s6 =	sld [smem:$0x3FB1]  }
0x2c: {  	s7 =	sld [smem:$0x3FB2]  }
0x2d: {  	s3 =	simm.s32 $0x108;
	s8 =	sld [smem:$0x3FB3]  }
0x2e: {  	s3 =	simm.s32 @!p0 $0x1082;
	s9 =	sld [smem:$0x3FB4]  }
0x2f: {  	lr =	sadd.s32 s0, s3;
	s0 =	sld [smem:$0x3FAB]  }
0x30: {  	s3 =	sld [smem:$0x3FAE]  }
0x31: {  	[smem:$0x3FB7] =	sst s10  }
0x32: {  	s10 =	sld [smem:$0x3FB5];
	_ =	sdelay $0x3  }
0x33: {  	p0 =	seq.s32 s10, $0x1;
	s10 =	sld [smem:$0x3FB7];
	_ =	sdelay $0x3  }
0x34: {  	[smem:$0x3FB7] =	sst s10  }
0x35: {  	s10 =	sld [smem:$0x3FB6];
	_ =	sdelay $0x3  }
0x36: {  	p1 =	seq.s32 s10, $0x1;
	s10 =	sld [smem:$0x3FB7];
	_ =	sdelay $0x3  }
0x37: {  	[smem:$0x3FB7] =	sst s10  }
0x38: {  	s10 =	sld [smem:$0x3FB8]  }
0x39: {  	_ = 	snop;
	(pc) =	sbr.ind lr, $3  }
0x3a: {  	_ = 	snop  }
0x3b: {  	_ = 	snop  }
0x3c: {  	p2 =	seq.s32 s10, $0x1;
	s10 =	sld [smem:$0x3FB7]  }
0x3d: {  	_ =	shalt  }
0x3e: {  	_ =	shalt  }
0x3f: {  	_ =	shalt  }
0x40: {  	_ =	shalt  }
0x41: {  	_ =	shalt  }
0x42: {  	_ =	shalt  }
0x43: {  	_ =	shalt  }
0x44: {  	_ =	shalt  }
0x45: {  	_ =	shalt  }
0x46: {  	_ =	shalt  }
0x47: {  	_ =	shalt  }
0x48: {  	_ =	shalt  }
0x49: {  	_ =	shalt  }
0x4a: {  	_ =	shalt  }
0x4b: {  	_ =	shalt  }
0x4c: {  	_ =	shalt  }
0x4d: {  	_ =	shalt  }
0x4e: {  	_ =	shalt  }
0x4f: {  	_ =	shalt  }
0x50: {  	_ =	shalt  }
0x51: {  	_ =	shalt  }
0x52: {  	_ =	shalt  }
0x53: {  	_ =	shalt  }
0x54: {  	_ =	shalt  }
0x55: {  	_ =	shalt  }
0x56: {  	_ =	shalt  }
0x57: {  	_ =	shalt  }
0x58: {  	_ =	shalt  }
0x59: {  	_ =	shalt  }
0x5a: {  	_ =	shalt  }
0x5b: {  	_ =	shalt  }
0x5c: {  	_ =	shalt  }
0x5d: {  	_ =	shalt  }
0x5e: {  	_ =	shalt  }
0x5f: {  	_ =	shalt  }
0x60: {  	_ =	shalt  }
0x61: {  	_ =	shalt  }
0x62: {  	_ =	shalt  }
0x63: {  	_ =	shalt  }
0x64: {  	_ =	shalt  }
0x65: {  	_ =	shalt  }
0x66: {  	_ =	shalt  }
0x67: {  	_ =	shalt  }
0x68: {  	_ =	shalt  }
0x69: {  	_ =	shalt  }
0x6a: {  	_ =	shalt  }
0x6b: {  	_ =	shalt  }
0x6c: {  	_ =	shalt  }
0x6d: {  	_ =	shalt  }
0x6e: {  	_ =	shalt  }
0x6f: {  	_ =	shalt  }
0x70: {  	_ =	shalt  }
0x71: {  	_ =	shalt  }
0x72: {  	_ =	shalt  }
0x73: {  	_ =	shalt  }
0x74: {  	_ =	shalt  }
0x75: {  	_ =	shalt  }
0x76: {  	_ =	shalt  }
0x77: {  	_ =	shalt  }
0x78: {  	_ =	shalt  }
0x79: {  	_ =	shalt  }
0x7a: {  	_ =	shalt  }
0x7b: {  	_ =	shalt  }
0x7c: {  	_ =	shalt  }
0x7d: {  	_ =	shalt  }
0x7e: {  	_ =	shalt  }
0x7f: {  	_ =	shalt  }
0x80: {  	_ =	shalt  }
0x81: {  	_ =	shalt  }
0x82: {  	_ =	shalt  }
0x83: {  	_ =	shalt  }
0x84: {  	_ =	shalt  }
0x85: {  	_ =	shalt  }
0x86: {  	_ =	shalt  }
0x87: {  	_ =	shalt  }
.Lfunc_end0:
.L_simem_size_0:
called_computation_lowered:
.L_overlay_start_0:
0x88: {  	s2 =	sld [smem:$0x3FD9]  }
0x89: {  	s3 =	sld [smem:$0x3FFE];
	_ =	sdelay $0x1  }
0x8a: {  	s1 =	srdreg.scid  }
0x8b: {  	s0 =	sand.u32 $0x1, s1  }
0x8c: {  	s17 =	sshll.u32 s0, $0xA;
	s2 =	sadd.s32 s3, s2  }
0x8d: {  	s2 =	sadd.s32 s2, s17  }
0x8e: {  	[smem:$0x3FC3] =	sst s2  }
0x8f: {  	_ = 	snop  }
0x90: {  	s2 =	sld [smem:$0x3FD0];
	(tm) =	ssettm $0x1  }
0x91: {  	s18 =	sld [smem:$0x3FFB];
	_ =	sdelay $0x3  }
0x92: {  	_ =	strace s18  }
0x93: {  	s3 =	sld [smem:$0x3FFC];
	_ =	sdelay $0x3  }
0x94: {  	_ =	strace s3  }
0x95: {  	s3 =	sld [smem:$0x3FFD];
	_ =	sdelay $0x3  }
0x96: {  	_ =	strace s3  }
0x97: {  	_ =	strace $0x8FFFFFFF  }
0x98: {  	s19 =	sld [smem:$0x3FDB];
	_ =	sdelay $0x1  }
0x99: {  	s4 =	simm.s32 $_scs_section_size  }
0x9a: {  	s5 =	simm.s32 $_size__tile_overlayer_lowered;
	s6 =	simm.s32 $_tile_overlayer_lowered  }
0x9b: {  	s22 =	simm.s32 $0x1BFF;
	s21 =	sshll.u32 s6, $0x1;
	s3 =	sadd.s32 s4, s19  }
0x9c: {  	s7 =	simm.s32 $0x0;
	s20 =	sshll.u32 s5, $0x1;
	s5 =	sadd.s32 s21, s3  }
0x9d: {  	[timem:s7], [sflag:s22] =	dma.local [hbm:s5], s20  }
0x9e: {  	_ =	swait.ge [sflag:s22], s20  }
0x9f: {  	s4 =	ssub.s32 $0x0, s20;
	[sflag:s22] =	ssyncset.done $0x0  }
0xa0: {  	[sflag:s22] =	ssyncadd.s32 s4;
	_ =	sdelay $0x1  }
0xa1: {  	s23 =	simm.s32 $0x1B8B  }
0xa2: {  	_ =	swait.ge [sflag:s23], $0x1  }
0xa3: {  	[sflag:s23] =	ssyncset.done $0x0  }
0xa4: {  	s25 =	simm.s32 $0x1B8E;
	s24 =	sld [smem:$0x3FFE];
	[sflag:s23] =	ssyncadd.s32 $0xFFFFFFFF  }
0xa5: {  	s26 =	simm.s32 $execute0_lowered;
	[smem:$0x3FD2] =	sst s25  }
0xa6: {  	s5 =	sshll.u32 s26, $0x1;
	_ =	strace $0x80000046;
	[dreg:$0x1] =	wrdreg $0xFFFFFFFF  }
0xa7: {  	s28 =	simm.s32 $_size_execute0_lowered;
	s3 =	sadd.s32 s3, s5;
	[dreg:$0x0] =	wrdreg $0x0  }
0xa8: {  	s5 =	sshll.u32 s28, $0x1;
	[dreg:$0x2] =	wrdreg s3  }
0xa9: {  	[dreg:$0x3] =	wrdreg s5  }
0xaa: {  	[dreg:$0x4] =	wrdreg $0xC0  }
0xab: {  	_ =	task [dreg:s7], $0x5FFFF  }
0xac: {  	[dreg:$0x1] =	wrdreg $0xFFFFFFFF  }
0xad: {  	[dreg:$0x0] =	wrdreg $0x60  }
0xae: {  	[dreg:$0x2] =	wrdreg s24  }
0xaf: {  	[dreg:$0x3] =	wrdreg s2  }
0xb0: {  	[dreg:$0x4] =	wrdreg $0x9  }
0xb1: {  	_ =	task.clear_ibuf [dreg:s7], $0x5FFFF;
	_ =	strace $0x90000046  }
0xb2: {  	s29 =	simm.s32 $0x9;
	_ =	strace $0x80000048  }
0xb3: {  	_ =	swait.ge [sflag:s29], $0x1  }
0xb4: {  	[sflag:s29] =	ssyncadd.s32 $0xFFFFFFFF  }
0xb5: {  	_ =	strace $0x90000048  }
0xb6: {  	_ =	sfence  }
0xb7: {  	s30 =	sld [smem:$0x0];
	_ =	sdelay $0x2  }
0xb8: {  	s31 =	sshll.u32 s1, $0xD;
	s1 =	sshrl.u32 s1, $0x2  }
0xb9: {  	s3 =	sand.u32 $0x4000, s31;
	s1 =	sadd.s32 s1, s30  }
0xba: {  	s0 =	sor.u32 s3, s0;
	s1 =	sshll.u32 s1, $0x11  }
0xbb: {  	s0 =	sor.u32 s1, s0  }
0xbc: {  	s0 =	sadd.s32 $0x8F2B, s0  }
0xbd: {  	[sflag:s0] =	ssyncadd.remote.s32 $0x1  }
0xbe: {  	_ =	sfence.sel $0xFFFF  }
0xbf: {  	[dreg:$0x0] =	wrdreg $0xFFFFFFFF;
	(pc) =	sbr.abs _section_cstart, $3  }
0xc0: {  	[dreg:$0x1] =	wrdreg $0xFFFFFFFF  }
0xc1: {  	_ =	task.clear_ibuf [dreg:s7], $0x2FFFF;
	_ =	strace $0x9FFFFFFF  }
0xc2: {  	(tm) =	ssettm $0x7FFFFFFF  }
0xc3: {  	_ =	shalt  }
tec
execute0_lowered:
.L_overlay_start_1:
0x0: {  	(tag) =	ssettag $0x1  }
0x1: {  	s3 =	rddreg [dreg:$0x0]  }
0x2: {  	s1 =	rddreg [dreg:$0x1]  }
0x3: {  	s0 =	rddreg [dreg:$0x2]  }
0x4: {  	s2 =	simm.s32 $0x0;
	s4 =	srdreg.scid;
	s8 =	simm.s32 $0x400  }
0x5: {  	s9 =	simm.s32 $0x1;
	s10 =	simm.s32 $0x1000;
	s5 =	sand.u32 $0x1, s4  }
0x6: {  	v0 =	vlaneseq.u32;
	[smem:$0x7FF] =	sst s2;
	s4 =	sadd.s32 $0xC00, s3;
	s6 =	ssub.s32 $0x2, s5  }
0x7: {  	s3 =	stileid.u32;
	v0 =	vmul.u32 $0xFFFFFFFF, v0;
	_ =	strace $0x80000047;
	s7 =	sshrl.u32 s6, $0x1  }
0x8: {  	s5 =	sshll.u32 s5, $0xB;
	s31 =	sshll.u32 s3, $0x7;
	s6 =	ssub.s32 s6, s7  }
0x9: {  	vm0 =	vcmask $0x2B30;
	s5 =	sor.u32 s31, s5;
	v0 =	vadd.s32 $0xF, v0;
	s7 =	simm.s32 $0x80;
	s6 =	smax.u32 s6, $0x1  }
.LBB2_1:
0xa: {  	s11 =	simm.s32 $0x0  }
.LBB2_2:
0xb: {  	s12 =	sadd.s32 s5, s11  }
0xc: {  	s13 =	sshll.u32 s11, $0x4;
	s12 =	sshll.u32 s12, $0x9  }
0xd: {  	s13 =	sand.u32 $0x70, s13;
	s12 =	sand.u32 $0x1FF000, s12  }
0xe: {  	s12 =	sor.u32 s13, s12  }
0xf: {  	s14 =	simm.s32 $0x0;
	s13 =	sadd.s32 s4, s12  }
0x10: {  	[tilespmem:s14], [sflag:$0x1] =	stream.strided.gather [hbm4b:s13+s7], $0x1000, s8, s7, $0x38;
	[tilespmem:$0x2000] =	vst v63  }
0x11: {  	_ =	swait.ge [sflag:s9], $0x1000  }
0x12: {  	[sflag:s9] =	ssyncset.done $0x0  }
0x13: {  	s29 =	simm.s32 $0x0;
	[sflag:s9] =	ssyncadd.s32 $0xFFFFF000  }
0x14: {  	v1 =	vld [tilespmem:s29+$0x0];
	_ =	sdelay $0x4  }
0x15: {  	(xrf1) =	vsort.ascd.msk.f32 $0xffff, v1, v1;
	_ =	sdelay $0x9  }
0x16: {  	s30 =	simm.s32 $0x10  }
0x17: {  	v2 =	vld [tilespmem:s30+$0x0];
	_ =	sdelay $0x2  }
0x18: {  	_, v1, _ =	vpop (xrf1)  }
0x19: {  	v3 =	vperm.xlane v1, v0  }
0x1a: {  	(xrf1) =	vsort.ascd.msk.f32 $0xffff, v2, v2;
	v1 =	vimm.f32 $-2.000000000e+00  }
0x1b: {  	v2 =	vmax.f32 v1, v3  }
0x1c: {  	(xrf1) =	vsort.ascd.msk.f32 $0xffff, v2, v2;
	v2 =	vmin.f32 v1, v3  }
0x1d: {  	(xrf1) =	vsort.ascd.msk.f32 $0xffff, v2, v2;
	_ =	sdelay $0x6  }
0x1e: {  	s31 =	simm.s32 $0x20  }
0x1f: {  	v2 =	vld [tilespmem:s31+$0x0];
	_ =	sdelay $0x2  }
0x20: {  	_, v3, _ =	vpop (xrf1)  }
0x21: {  	v3 =	vperm.xlane v3, v0  }
0x22: {  	(xrf1) =	vsort.ascd.msk.f32 $0xffff, v2, v2;
	_, v4, _ =	vpop (xrf1)  }
0x23: {  	v2 =	vmax.f32 v4, v3;
	_, v63, _ =	vpop (xrf1)  }
0x24: {  	v3 =	vmin.f32 v4, v3;
	(xrf1) =	vsort.ascd.msk.f32 $0xffff, v2, v2;
	v2 =	vperm.xlane v63, v0  }
0x25: {  	s13 =	simm.s32 $0xC0;
	(xrf1) =	vsort.ascd.msk.f32 $0xffff, v3, v3  }
.LBB2_3:
0x26: {  	p0 =	sne.s32 s13, $0x3FC0;
	v1 =	vmax.f32 v1, v2;
	s14 =	smov.u32 s13;
	s13 =	sadd.s32 $0x40, s13  }
0x27: {  	(xrf1) =	vsort.ascd.msk.f32 $0xffff, v1, v1;
	_ =	sdelay $0x4  }
0x28: {  	s14 =	sshra.s32 s14, $0x2  }
0x29: {  	v1 =	vld [tilespmem:s14+$0x0];
	_ =	sdelay $0x2  }
0x2a: {  	_, v2, _ =	vpop (xrf1)  }
.Ltmp0:
0x2b: {  	v4 =	vperm.xlane v2, v0;
	(pc) =	sbr.rel @p0 .LBB2_3-.Ltmp0, $4  }
0x2c: {  	(xrf1) =	vsort.ascd.msk.f32 $0xffff, v1, v1;
	_, v1, _ =	vpop (xrf1)  }
0x2d: {  	v3 =	vmax.f32 v1, v4;
	v4 =	vmin.f32 v1, v4;
	_, v2, _ =	vpop (xrf1)  }
0x2e: {  	(xrf1) =	vsort.ascd.msk.f32 $0xffff, v3, v3;
	v2 =	vperm.xlane v2, v0  }
0x2f: {  	(xrf1) =	vsort.ascd.msk.f32 $0xffff, v4, v4;
	_, v1, _ =	vpop (xrf1)  }
0x30: {  	_ =	sdelay $0x1  }
0x31: {  	v1 =	vmax.f32 v1, v2  }
0x32: {  	(xrf1) =	vsort.ascd.msk.f32 $0xffff, v1, v1;
	_ =	sdelay $0x6  }
0x33: {  	_, v1, _ =	vpop (xrf1)  }
0x34: {  	v1 =	vperm.xlane v1, v0  }
0x35: {  	_, v2, _ =	vpop (xrf1)  }
0x36: {  	v3 =	vmax.f32 v2, v1;
	v1 =	vmin.f32 v2, v1;
	_ =	sdelay $0x1  }
0x37: {  	_, v4, _ =	vpop (xrf1)  }
0x38: {  	(xrf1) =	vsort.ascd.msk.f32 $0xffff, v3, v3;
	v2 =	vperm.xlane v4, v0  }
0x39: {  	(xrf1) =	vsort.ascd.msk.f32 $0xffff, v1, v1;
	_, v1, _ =	vpop (xrf1)  }
0x3a: {  	v1 =	vmax.f32 v1, v2  }
0x3b: {  	(xrf1) =	vsort.ascd.msk.f32 $0xffff, v1, v1;
	_ =	sdelay $0xa  }
0x3c: {  	_, v1, _ =	vpop (xrf1)  }
0x3d: {  	_, v1, _ =	vpop (xrf1)  }
0x3e: {  	v1 =	vperm.xlane v1, v0  }
0x3f: {  	_, v2, _ =	vpop (xrf1)  }
0x40: {  	v1 =	vmax.f32 v2, v1  }
0x41: {  	(xrf1) =	vsort.ascd.msk.f32 $0xffff, v1, v1;
	_ =	sdelay $0xd  }
0x42: {  	_, v1, _ =	vpop (xrf1)  }
0x43: {  	v1 =	vsel vm0, $0xC0000000, v1  }
0x44: {  	(xrf0) =	vmax.scan.msk.f32 $0xffff, v1;
	_ =	sdelay $0x5  }
0x45: {  	v1, _, _ =	vpop (xrf0)  }
0x46: {  	(v2sf) =	vpush v1, $0xF;
	_ =	sdelay $0xe  }
0x47: {  	s13 =	spop (v2sf)  }
0x48: {  	s14 =	smax.f32 s13, $0.0e+00;
	s13 =	simm.s32 $0x0  }
0x49: {  	v2 =	vld [tilespmem:s13+$0x0]  }
0x4a: {  	v1 =	vmov s14;
	s14 =	simm.s32 $0x40  }
.LBB2_5:
0x4b: {  	p0 =	sne.s32 s14, $0x3FC0  }
.Ltmp1:
0x4c: {  	_ = 	snop;
	(pc) =	sbr.rel @p0 .LBB2_5-.Ltmp1, $4  }
0x4d: {  	_ = 	snop  }
0x4e: {  	s15 =	sshra.s32 s14, $0x2;
	s14 =	sadd.s32 $0x40, s14;
	vm1 =	vge.f32 v2, v1  }
0x4f: {  	v3 =	vnsel vm1, $0x0, v2;
	v2 =	vld [tilespmem:s15+$0x0]  }
0x50: {  	[tilespmem:s13+$0x1000] =	vst v3;
	s13 =	smov.u32 s15  }
0x51: {  	_ =	sdelay $0x2  }
0x52: {  	s11 =	sadd.s32 $0x1, s11;
	vm1 =	vge.f32 v2, v1  }
0x53: {  	p0 =	sne.s32 s11, $0x80;
	v1 =	vnsel vm1, $0x0, v2  }
.Ltmp2:
0x54: {  	s12 =	sadd.s32 s1, s12;
	[tilespmem:s13+$0x1000] =	vst v1;
	(pc) =	sbr.rel @p0 .LBB2_2-.Ltmp2, $4  }
0x55: {  	[hbm4b:s12+s7] =	stream.strided.scatter [tilespmem:s10], [sflag:$0x1], $0x1000, s8, s7, $0x38;
	[tilespmem:$0x2000] =	vst v63  }
0x56: {  	_ =	swait.ge [sflag:s9], $0x1000  }
0x57: {  	[sflag:s9] =	ssyncset.done $0x0  }
0x58: {  	[sflag:s9] =	ssyncadd.s32 $0xFFFFF000  }
0x59: {  	s2 =	sadd.s32 $0x1, s2  }
0x5a: {  	p0 =	sne.s32 s2, s6  }
.Ltmp3:
0x5b: {  	_ = 	snop;
	(pc) =	sbr.rel @p0 .LBB2_1-.Ltmp3, $1  }
0x5c: {  	_ =	sdelay $0x3  }
0x5d: {  	_ =	sfence.sel $0x180000  }
0x5e: {  	[bflag:$0x0] =	sbarrier.arrive $0xFFFF  }
0x5f: {  	p0 =	sne.s32 s3, $0x0;
	_ =	strace $0x90000047  }
0x60: {  	s0 =	sadd.s32 @!p0 $0x100000, s0;
	[bflag:$0x2] =	sbarrier.arrive $0xFFFF  }
0x61: {  	[sflag:s0] =	ssyncadd.tile.s32 @!p0 $0x1;
	_ =	shalt  }
.Lfunc_end2:
_tile_overlayer_lowered:
.L_overlay_start_2:
0x62: {  	(tag) =	ssettag $0x2  }
0x63: {  	s0 =	rddreg [dreg:$0x0];
	s2 =	stileid.u32  }
0x64: {  	s1 =	rddreg [dreg:$0x1];
	p0 =	sne.s32 s2, $0x0  }
0x65: {  	s3 =	rddreg [dreg:$0x2];
	[bflag:$0x3] =	sbarrier.arrive $0xFFFF;
	s2 =	simm.s32 @!p0 $0x1C01  }
0x66: {  	[timem:s3], [sflag:s2] =	dma.local @!p0 [hbm:s0], s1  }
0x67: {  	s0 =	simm.s32 @!p0 $0x1  }
0x68: {  	_ =	swait.ge @!p0 [sflag:s0], s1  }
0x69: {  	s1 =	ssub.s32 @!p0 $0x0, s1;
	[sflag:s0] =	ssyncset.done @!p0 $0x0  }
0x6a: {  	[sflag:s0] =	ssyncadd.s32 @!p0 s1  }
0x6b: {  	[bflag:$0x3] =	sbarrier.arrive $0xFFFF  }
0x6c: {  	_ =	shalt  }

</sc_bundles>
